<compile_context>
chip_gen: v7x
topology: tpu7x:2x2x1
jax: 0.10.2.dev20260603
libtpu: 0.0.44.dev20260713+nightly
codegen_flags: <defaults>
</compile_context>

<pallas_src>
import functools

import jax
import jax.numpy as jnp
from jax import lax
from jax.experimental import pallas as pl
from jax.experimental.pallas import tpu as pltpu
from jax.experimental.pallas import tpu_sc as plsc

NUM_FIELDS = 26
VOCAB = 100000
EMB_DIM = 32
NUMERIC_DIM = 13
BATCH = 16384
OUT_DIM = NUMERIC_DIM + NUM_FIELDS * EMB_DIM
EMB_COLS = NUM_FIELDS * EMB_DIM

NUM_CORES = 2
NUM_SUBCORES = 16
NUM_WORKERS = NUM_CORES * NUM_SUBCORES
ROWS_PER_WORKER = BATCH // NUM_WORKERS

CB = 64
NCHUNK = ROWS_PER_WORKER // CB
IDX_PER_CB = CB * NUM_FIELDS
GSZ = 128
NG = IDX_PER_CB // GSZ

TC_BB = 512


def _gather_body(xcat_hbm, ftab_hbm, emb_hbm, idx_v, emb_v, sem):
  c = lax.axis_index("c")
  s = lax.axis_index("s")
  wid = s * NUM_CORES + c

  def chunk(t, carry):
    base = wid * ROWS_PER_WORKER + t * CB
    pltpu.sync_copy(xcat_hbm.at[pl.ds(base * NUM_FIELDS, IDX_PER_CB)], idx_v)
    copies = [
        pltpu.async_copy(
            ftab_hbm.at[idx_v.at[pl.ds(j * GSZ, GSZ)]],
            emb_v.at[pl.ds(j * GSZ, GSZ), :],
            sem,
        )
        for j in range(NG)
    ]
    for cp in copies:
      cp.wait()
    pltpu.sync_copy(
        emb_v, emb_hbm.at[pl.ds(base * NUM_FIELDS, IDX_PER_CB), :]
    )
    return carry

  lax.fori_loop(0, NCHUNK, chunk, 0)


def _concat_body(xnum_ref, emb_ref, out_ref):
  out_ref[:, :NUMERIC_DIM] = xnum_ref[...]
  out_ref[:, NUMERIC_DIM:] = emb_ref[...]


@jax.jit
def _embed(x_num, xcat_flat, ftab):
  mesh = plsc.VectorSubcoreMesh(
      core_axis_name="c", subcore_axis_name="s", num_cores=NUM_CORES,
      num_subcores=NUM_SUBCORES,
  )
  gather = functools.partial(
      pl.kernel,
      out_type=jax.ShapeDtypeStruct((BATCH * NUM_FIELDS, EMB_DIM), jnp.float32),
      mesh=mesh,
      scratch_types=[
          pltpu.VMEM((IDX_PER_CB,), jnp.int32),
          pltpu.VMEM((IDX_PER_CB, EMB_DIM), jnp.float32),
          pltpu.SemaphoreType.DMA,
      ],
      compiler_params=pltpu.CompilerParams(use_tc_tiling_on_sc=False),
  )(_gather_body)
  emb = gather(xcat_flat, ftab)
  emb2 = emb.reshape(BATCH, EMB_COLS)

  out = pl.pallas_call(
      _concat_body,
      out_shape=jax.ShapeDtypeStruct((BATCH, OUT_DIM), jnp.float32),
      grid=(BATCH // TC_BB,),
      in_specs=[
          pl.BlockSpec((TC_BB, NUMERIC_DIM), lambda i: (i, 0)),
          pl.BlockSpec((TC_BB, EMB_COLS), lambda i: (i, 0)),
      ],
      out_specs=pl.BlockSpec((TC_BB, OUT_DIM), lambda i: (i, 0)),
  )(x_num, emb2)
  return out


def kernel(x_num, x_cat, tables):
  offs = jnp.arange(NUM_FIELDS, dtype=jnp.int32) * VOCAB
  xcat_flat = (x_cat + offs[None, :]).reshape(-1)
  ftab = tables.reshape(NUM_FIELDS * VOCAB, EMB_DIM)
  return _embed(x_num, xcat_flat, ftab)

# --- scband reference (transcript-rebuilt; emitter-appended) ---
"""Pipeline reference for scband-raw-embedder-25546465476855 (READ-ONLY COPY).

The authoritative reference and input builder live on the scoring server;
editing this copy changes nothing except your own understanding.
"""

import jax, jax.numpy as jnp
import numpy as np

NUM_FIELDS = 26
VOCAB = 100000
EMB_DIM = 32
NUMERIC_DIM = 13
BATCH = 16384


def setup_inputs(seed: int = 0) -> dict:
    key = jax.random.key(seed)
    k1, k2, k3 = jax.random.split(key, 3)
    x_num = jax.random.normal(k1, (BATCH, NUMERIC_DIM), dtype=jnp.float32)
    x_cat = jax.random.randint(k2, (BATCH, NUM_FIELDS), 0, VOCAB, dtype=jnp.int32)
    # 26 embedding tables, all [VOCAB, EMB_DIM]; stacked as a single param tensor
    tables = jax.random.normal(k3, (NUM_FIELDS, VOCAB, EMB_DIM), dtype=jnp.float32) * 0.05
    return {"x_num": x_num, "x_cat": x_cat, "tables": tables}


def reference(x_num, x_cat, tables):
    # Per-field embedding lookup (gather) then concat with numeric features.
    # Dropout p=0.0 (eval) -> identity.
    cat_emb = [jnp.take(tables[i], x_cat[:, i], axis=0) for i in range(NUM_FIELDS)]
    return jnp.concatenate([x_num] + cat_emb, axis=1)

if __name__ == "__main__":
    import jax
    _d = setup_inputs()
    print(jax.jit(kernel)(*tuple(_d.values())))

</pallas_src>

<mosaic_0001>
#map = affine_map<(d0, d1) -> (0)>
#map1 = affine_map<(d0, d1) -> (0, 0)>
module attributes {stable_mosaic.version = 14 : i64} {
  func.func @_gather_body(%arg0: i32, %arg1: i32, %arg2: memref<425984xi32, #tpu.memory_space<hbm>>, %arg3: memref<2600000x32xf32, #tpu.memory_space<hbm>>, %arg4: memref<425984x32xf32, #tpu.memory_space<hbm>>, %arg5: memref<1664xi32, #tpu.memory_space<vmem>>, %arg6: memref<1664x32xf32, #tpu.memory_space<vmem>>, %arg7: memref<!tpu.dma_semaphore, #tpu.memory_space<semaphore_mem>>) attributes {dimension_semantics = [#tpu.dimension_semantics<core_parallel>, #tpu.dimension_semantics<subcore_parallel>], iteration_bounds = array<i64: 2, 16>, scalar_prefetch = 0 : i64, scratch_operands = 3 : i64, tpu.core_type = #tpu.core_type<sc_vector_subcore>, window_params = [{transform_indices = #map}, {transform_indices = #map1}, {transform_indices = #map1}]} {
    %mul3A = arith.constant 2 : i32
    %mul3A_0 = arith.muli %arg1, %mul3A : i32
    %add3A = arith.addi %mul3A_0, %arg0 : i32
    %scan3A = arith.constant 0 : i32
    %scan3A_1 = arith.constant 0 : i32
    %scan3A_2 = arith.constant 8 : i32
    %scan3A_3 = arith.addi %scan3A_1, %scan3A_2 : i32
    %scan3A_4 = arith.constant 1 : i32
    scf.for %scan3A_6 = %scan3A_1 to %scan3A_3 step %scan3A_4  : i32 {
      %mul3A_7 = arith.constant 512 : i32
      %mul3A_8 = arith.muli %add3A, %mul3A_7 : i32
      %mul3A_9 = arith.constant 64 : i32
      %mul3A_10 = arith.muli %scan3A_6, %mul3A_9 : i32
      %add3A_11 = arith.addi %mul3A_8, %mul3A_10 : i32
      %mul3A_12 = arith.constant 26 : i32
      %mul3A_13 = arith.muli %add3A_11, %mul3A_12 : i32
      "tpu.region"() ({
        %run_scoped3A = tpu.sem_alloc : memref<!tpu.dma_semaphore, #tpu.memory_space<semaphore_mem>>
        %dma_start3A_222 = tpu.memref_slice %arg2[%mul3A_13] : memref<425984xi32, #tpu.memory_space<hbm>> -> memref<1664xi32, #tpu.memory_space<hbm>>
        %dma_start3A_223 = tpu.memref_slice %arg2[%mul3A_13] : memref<425984xi32, #tpu.memory_space<hbm>> -> memref<1664xi32, #tpu.memory_space<hbm>>
        tpu.enqueue_dma source(%dma_start3A_223 : memref<1664xi32, #tpu.memory_space<hbm>>) target(%arg5 : memref<1664xi32, #tpu.memory_space<vmem>>) target_semaphore(%run_scoped3A : memref<!tpu.dma_semaphore, #tpu.memory_space<semaphore_mem>>)
        %dma_wait3A_224 = tpu.memref_slice %arg2[%mul3A_13] : memref<425984xi32, #tpu.memory_space<hbm>> -> memref<1664xi32, #tpu.memory_space<hbm>>
        %dma_wait3A_225 = tpu.memref_slice %arg2[%mul3A_13] : memref<425984xi32, #tpu.memory_space<hbm>> -> memref<1664xi32, #tpu.memory_space<hbm>>
        tpu.wait_dma2 semaphore(%run_scoped3A : memref<!tpu.dma_semaphore, #tpu.memory_space<semaphore_mem>>) src(%dma_wait3A_225 : memref<1664xi32, #tpu.memory_space<hbm>>) dst(%arg5 : memref<1664xi32, #tpu.memory_space<vmem>>)
        tpu.yield
      }) : () -> ()
      %dma_start3A = arith.constant 0 : i32
      %dma_start3A_14 = arith.constant 0 : i32
      %dma_start3A_15 = tpu.memref_slice %arg6[%dma_start3A, %dma_start3A_14] : memref<1664x32xf32, #tpu.memory_space<vmem>> -> memref<128x32xf32, #tpu.memory_space<vmem>>
      %dma_start3A_16 = arith.constant 0 : i32
      %dma_start3A_17 = tpu.memref_slice %arg5[%dma_start3A_16] : memref<1664xi32, #tpu.memory_space<vmem>> -> memref<128xi32, #tpu.memory_space<vmem>>
      %dma_start3A_18 = arith.constant 0 : i32
      %dma_start3A_19 = arith.constant 0 : i32
      %dma_start3A_20 = tpu.memref_slice %arg3[%dma_start3A_18, %dma_start3A_19] : memref<2600000x32xf32, #tpu.memory_space<hbm>> -> memref<2600000x32xf32, #tpu.memory_space<hbm>>
      tpu.enqueue_indirect_dma source(%dma_start3A_20 : memref<2600000x32xf32, #tpu.memory_space<hbm>>) target(%dma_start3A_15 : memref<128x32xf32, #tpu.memory_space<vmem>>) offsets(%dma_start3A_17 : memref<128xi32, #tpu.memory_space<vmem>>) semaphore(%arg7 : memref<!tpu.dma_semaphore, #tpu.memory_space<semaphore_mem>>)
      %dma_start3A_21 = arith.constant 128 : i32
      %dma_start3A_22 = arith.constant 0 : i32
      %dma_start3A_23 = tpu.memref_slice %arg6[%dma_start3A_21, %dma_start3A_22] : memref<1664x32xf32, #tpu.memory_space<vmem>> -> memref<128x32xf32, #tpu.memory_space<vmem>>
      %dma_start3A_24 = arith.constant 128 : i32
      %dma_start3A_25 = tpu.memref_slice %arg5[%dma_start3A_24] : memref<1664xi32, #tpu.memory_space<vmem>> -> memref<128xi32, #tpu.memory_space<vmem>>
      %dma_start3A_26 = arith.constant 0 : i32
      %dma_start3A_27 = arith.constant 0 : i32
      %dma_start3A_28 = tpu.memref_slice %arg3[%dma_start3A_26, %dma_start3A_27] : memref<2600000x32xf32, #tpu.memory_space<hbm>> -> memref<2600000x32xf32, #tpu.memory_space<hbm>>
      tpu.enqueue_indirect_dma source(%dma_start3A_28 : memref<2600000x32xf32, #tpu.memory_space<hbm>>) target(%dma_start3A_23 : memref<128x32xf32, #tpu.memory_space<vmem>>) offsets(%dma_start3A_25 : memref<128xi32, #tpu.memory_space<vmem>>) semaphore(%arg7 : memref<!tpu.dma_semaphore, #tpu.memory_space<semaphore_mem>>)
      %dma_start3A_29 = arith.constant 256 : i32
      %dma_start3A_30 = arith.constant 0 : i32
      %dma_start3A_31 = tpu.memref_slice %arg6[%dma_start3A_29, %dma_start3A_30] : memref<1664x32xf32, #tpu.memory_space<vmem>> -> memref<128x32xf32, #tpu.memory_space<vmem>>
      %dma_start3A_32 = arith.constant 256 : i32
      %dma_start3A_33 = tpu.memref_slice %arg5[%dma_start3A_32] : memref<1664xi32, #tpu.memory_space<vmem>> -> memref<128xi32, #tpu.memory_space<vmem>>
      %dma_start3A_34 = arith.constant 0 : i32
      %dma_start3A_35 = arith.constant 0 : i32
      %dma_start3A_36 = tpu.memref_slice %arg3[%dma_start3A_34, %dma_start3A_35] : memref<2600000x32xf32, #tpu.memory_space<hbm>> -> memref<2600000x32xf32, #tpu.memory_space<hbm>>
      tpu.enqueue_indirect_dma source(%dma_start3A_36 : memref<2600000x32xf32, #tpu.memory_space<hbm>>) target(%dma_start3A_31 : memref<128x32xf32, #tpu.memory_space<vmem>>) offsets(%dma_start3A_33 : memref<128xi32, #tpu.memory_space<vmem>>) semaphore(%arg7 : memref<!tpu.dma_semaphore, #tpu.memory_space<semaphore_mem>>)
      %dma_start3A_37 = arith.constant 384 : i32
      %dma_start3A_38 = arith.constant 0 : i32
      %dma_start3A_39 = tpu.memref_slice %arg6[%dma_start3A_37, %dma_start3A_38] : memref<1664x32xf32, #tpu.memory_space<vmem>> -> memref<128x32xf32, #tpu.memory_space<vmem>>
      %dma_start3A_40 = arith.constant 384 : i32
      %dma_start3A_41 = tpu.memref_slice %arg5[%dma_start3A_40] : memref<1664xi32, #tpu.memory_space<vmem>> -> memref<128xi32, #tpu.memory_space<vmem>>
      %dma_start3A_42 = arith.constant 0 : i32
      %dma_start3A_43 = arith.constant 0 : i32
      %dma_start3A_44 = tpu.memref_slice %arg3[%dma_start3A_42, %dma_start3A_43] : memref<2600000x32xf32, #tpu.memory_space<hbm>> -> memref<2600000x32xf32, #tpu.memory_space<hbm>>
      tpu.enqueue_indirect_dma source(%dma_start3A_44 : memref<2600000x32xf32, #tpu.memory_space<hbm>>) target(%dma_start3A_39 : memref<128x32xf32, #tpu.memory_space<vmem>>) offsets(%dma_start3A_41 : memref<128xi32, #tpu.memory_space<vmem>>) semaphore(%arg7 : memref<!tpu.dma_semaphore, #tpu.memory_space<semaphore_mem>>)
      %dma_start3A_45 = arith.constant 512 : i32
      %dma_start3A_46 = arith.constant 0 : i32
      %dma_start3A_47 = tpu.memref_slice %arg6[%dma_start3A_45, %dma_start3A_46] : memref<1664x32xf32, #tpu.memory_space<vmem>> -> memref<128x32xf32, #tpu.memory_space<vmem>>
      %dma_start3A_48 = arith.constant 512 : i32
      %dma_start3A_49 = tpu.memref_slice %arg5[%dma_start3A_48] : memref<1664xi32, #tpu.memory_space<vmem>> -> memref<128xi32, #tpu.memory_space<vmem>>
      %dma_start3A_50 = arith.constant 0 : i32
      %dma_start3A_51 = arith.constant 0 : i32
      %dma_start3A_52 = tpu.memref_slice %arg3[%dma_start3A_50, %dma_start3A_51] : memref<2600000x32xf32, #tpu.memory_space<hbm>> -> memref<2600000x32xf32, #tpu.memory_space<hbm>>
      tpu.enqueue_indirect_dma source(%dma_start3A_52 : memref<2600000x32xf32, #tpu.memory_space<hbm>>) target(%dma_start3A_47 : memref<128x32xf32, #tpu.memory_space<vmem>>) offsets(%dma_start3A_49 : memref<128xi32, #tpu.memory_space<vmem>>) semaphore(%arg7 : memref<!tpu.dma_semaphore, #tpu.memory_space<semaphore_mem>>)
      %dma_start3A_53 = arith.constant 640 : i32
      %dma_start3A_54 = arith.constant 0 : i32
      %dma_start3A_55 = tpu.memref_slice %arg6[%dma_start3A_53, %dma_start3A_54] : memref<1664x32xf32, #tpu.memory_space<vmem>> -> memref<128x32xf32, #tpu.memory_space<vmem>>
      %dma_start3A_56 = arith.constant 640 : i32
      %dma_start3A_57 = tpu.memref_slice %arg5[%dma_start3A_56] : memref<1664xi32, #tpu.memory_space<vmem>> -> memref<128xi32, #tpu.memory_space<vmem>>
      %dma_start3A_58 = arith.constant 0 : i32
      %dma_start3A_59 = arith.constant 0 : i32
      %dma_start3A_60 = tpu.memref_slice %arg3[%dma_start3A_58, %dma_start3A_59] : memref<2600000x32xf32, #tpu.memory_space<hbm>> -> memref<2600000x32xf32, #tpu.memory_space<hbm>>
      tpu.enqueue_indirect_dma source(%dma_start3A_60 : memref<2600000x32xf32, #tpu.memory_space<hbm>>) target(%dma_start3A_55 : memref<128x32xf32, #tpu.memory_space<vmem>>) offsets(%dma_start3A_57 : memref<128xi32, #tpu.memory_space<vmem>>) semaphore(%arg7 : memref<!tpu.dma_semaphore, #tpu.memory_space<semaphore_mem>>)
      %dma_start3A_61 = arith.constant 768 : i32
      %dma_start3A_62 = arith.constant 0 : i32
      %dma_start3A_63 = tpu.memref_slice %arg6[%dma_start3A_61, %dma_start3A_62] : memref<1664x32xf32, #tpu.memory_space<vmem>> -> memref<128x32xf32, #tpu.memory_space<vmem>>
      %dma_start3A_64 = arith.constant 768 : i32
      %dma_start3A_65 = tpu.memref_slice %arg5[%dma_start3A_64] : memref<1664xi32, #tpu.memory_space<vmem>> -> memref<128xi32, #tpu.memory_space<vmem>>
      %dma_start3A_66 = arith.constant 0 : i32
      %dma_start3A_67 = arith.constant 0 : i32
      %dma_start3A_68 = tpu.memref_slice %arg3[%dma_start3A_66, %dma_start3A_67] : memref<2600000x32xf32, #tpu.memory_space<hbm>> -> memref<2600000x32xf32, #tpu.memory_space<hbm>>
      tpu.enqueue_indirect_dma source(%dma_start3A_68 : memref<2600000x32xf32, #tpu.memory_space<hbm>>) target(%dma_start3A_63 : memref<128x32xf32, #tpu.memory_space<vmem>>) offsets(%dma_start3A_65 : memref<128xi32, #tpu.memory_space<vmem>>) semaphore(%arg7 : memref<!tpu.dma_semaphore, #tpu.memory_space<semaphore_mem>>)
      %dma_start3A_69 = arith.constant 896 : i32
      %dma_start3A_70 = arith.constant 0 : i32
      %dma_start3A_71 = tpu.memref_slice %arg6[%dma_start3A_69, %dma_start3A_70] : memref<1664x32xf32, #tpu.memory_space<vmem>> -> memref<128x32xf32, #tpu.memory_space<vmem>>
      %dma_start3A_72 = arith.constant 896 : i32
      %dma_start3A_73 = tpu.memref_slice %arg5[%dma_start3A_72] : memref<1664xi32, #tpu.memory_space<vmem>> -> memref<128xi32, #tpu.memory_space<vmem>>
      %dma_start3A_74 = arith.constant 0 : i32
      %dma_start3A_75 = arith.constant 0 : i32
      %dma_start3A_76 = tpu.memref_slice %arg3[%dma_start3A_74, %dma_start3A_75] : memref<2600000x32xf32, #tpu.memory_space<hbm>> -> memref<2600000x32xf32, #tpu.memory_space<hbm>>
      tpu.enqueue_indirect_dma source(%dma_start3A_76 : memref<2600000x32xf32, #tpu.memory_space<hbm>>) target(%dma_start3A_71 : memref<128x32xf32, #tpu.memory_space<vmem>>) offsets(%dma_start3A_73 : memref<128xi32, #tpu.memory_space<vmem>>) semaphore(%arg7 : memref<!tpu.dma_semaphore, #tpu.memory_space<semaphore_mem>>)
      %dma_start3A_77 = arith.constant 1024 : i32
      %dma_start3A_78 = arith.constant 0 : i32
      %dma_start3A_79 = tpu.memref_slice %arg6[%dma_start3A_77, %dma_start3A_78] : memref<1664x32xf32, #tpu.memory_space<vmem>> -> memref<128x32xf32, #tpu.memory_space<vmem>>
      %dma_start3A_80 = arith.constant 1024 : i32
      %dma_start3A_81 = tpu.memref_slice %arg5[%dma_start3A_80] : memref<1664xi32, #tpu.memory_space<vmem>> -> memref<128xi32, #tpu.memory_space<vmem>>
      %dma_start3A_82 = arith.constant 0 : i32
      %dma_start3A_83 = arith.constant 0 : i32
      %dma_start3A_84 = tpu.memref_slice %arg3[%dma_start3A_82, %dma_start3A_83] : memref<2600000x32xf32, #tpu.memory_space<hbm>> -> memref<2600000x32xf32, #tpu.memory_space<hbm>>
      tpu.enqueue_indirect_dma source(%dma_start3A_84 : memref<2600000x32xf32, #tpu.memory_space<hbm>>) target(%dma_start3A_79 : memref<128x32xf32, #tpu.memory_space<vmem>>) offsets(%dma_start3A_81 : memref<128xi32, #tpu.memory_space<vmem>>) semaphore(%arg7 : memref<!tpu.dma_semaphore, #tpu.memory_space<semaphore_mem>>)
      %dma_start3A_85 = arith.constant 1152 : i32
      %dma_start3A_86 = arith.constant 0 : i32
      %dma_start3A_87 = tpu.memref_slice %arg6[%dma_start3A_85, %dma_start3A_86] : memref<1664x32xf32, #tpu.memory_space<vmem>> -> memref<128x32xf32, #tpu.memory_space<vmem>>
      %dma_start3A_88 = arith.constant 1152 : i32
      %dma_start3A_89 = tpu.memref_slice %arg5[%dma_start3A_88] : memref<1664xi32, #tpu.memory_space<vmem>> -> memref<128xi32, #tpu.memory_space<vmem>>
      %dma_start3A_90 = arith.constant 0 : i32
      %dma_start3A_91 = arith.constant 0 : i32
      %dma_start3A_92 = tpu.memref_slice %arg3[%dma_start3A_90, %dma_start3A_91] : memref<2600000x32xf32, #tpu.memory_space<hbm>> -> memref<2600000x32xf32, #tpu.memory_space<hbm>>
      tpu.enqueue_indirect_dma source(%dma_start3A_92 : memref<2600000x32xf32, #tpu.memory_space<hbm>>) target(%dma_start3A_87 : memref<128x32xf32, #tpu.memory_space<vmem>>) offsets(%dma_start3A_89 : memref<128xi32, #tpu.memory_space<vmem>>) semaphore(%arg7 : memref<!tpu.dma_semaphore, #tpu.memory_space<semaphore_mem>>)
      %dma_start3A_93 = arith.constant 1280 : i32
      %dma_start3A_94 = arith.constant 0 : i32
      %dma_start3A_95 = tpu.memref_slice %arg6[%dma_start3A_93, %dma_start3A_94] : memref<1664x32xf32, #tpu.memory_space<vmem>> -> memref<128x32xf32, #tpu.memory_space<vmem>>
      %dma_start3A_96 = arith.constant 1280 : i32
      %dma_start3A_97 = tpu.memref_slice %arg5[%dma_start3A_96] : memref<1664xi32, #tpu.memory_space<vmem>> -> memref<128xi32, #tpu.memory_space<vmem>>
      %dma_start3A_98 = arith.constant 0 : i32
      %dma_start3A_99 = arith.constant 0 : i32
      %dma_start3A_100 = tpu.memref_slice %arg3[%dma_start3A_98, %dma_start3A_99] : memref<2600000x32xf32, #tpu.memory_space<hbm>> -> memref<2600000x32xf32, #tpu.memory_space<hbm>>
      tpu.enqueue_indirect_dma source(%dma_start3A_100 : memref<2600000x32xf32, #tpu.memory_space<hbm>>) target(%dma_start3A_95 : memref<128x32xf32, #tpu.memory_space<vmem>>) offsets(%dma_start3A_97 : memref<128xi32, #tpu.memory_space<vmem>>) semaphore(%arg7 : memref<!tpu.dma_semaphore, #tpu.memory_space<semaphore_mem>>)
      %dma_start3A_101 = arith.constant 1408 : i32
      %dma_start3A_102 = arith.constant 0 : i32
      %dma_start3A_103 = tpu.memref_slice %arg6[%dma_start3A_101, %dma_start3A_102] : memref<1664x32xf32, #tpu.memory_space<vmem>> -> memref<128x32xf32, #tpu.memory_space<vmem>>
      %dma_start3A_104 = arith.constant 1408 : i32
      %dma_start3A_105 = tpu.memref_slice %arg5[%dma_start3A_104] : memref<1664xi32, #tpu.memory_space<vmem>> -> memref<128xi32, #tpu.memory_space<vmem>>
      %dma_start3A_106 = arith.constant 0 : i32
      %dma_start3A_107 = arith.constant 0 : i32
      %dma_start3A_108 = tpu.memref_slice %arg3[%dma_start3A_106, %dma_start3A_107] : memref<2600000x32xf32, #tpu.memory_space<hbm>> -> memref<2600000x32xf32, #tpu.memory_space<hbm>>
      tpu.enqueue_indirect_dma source(%dma_start3A_108 : memref<2600000x32xf32, #tpu.memory_space<hbm>>) target(%dma_start3A_103 : memref<128x32xf32, #tpu.memory_space<vmem>>) offsets(%dma_start3A_105 : memref<128xi32, #tpu.memory_space<vmem>>) semaphore(%arg7 : memref<!tpu.dma_semaphore, #tpu.memory_space<semaphore_mem>>)
      %dma_start3A_109 = arith.constant 1536 : i32
      %dma_start3A_110 = arith.constant 0 : i32
      %dma_start3A_111 = tpu.memref_slice %arg6[%dma_start3A_109, %dma_start3A_110] : memref<1664x32xf32, #tpu.memory_space<vmem>> -> memref<128x32xf32, #tpu.memory_space<vmem>>
      %dma_start3A_112 = arith.constant 1536 : i32
      %dma_start3A_113 = tpu.memref_slice %arg5[%dma_start3A_112] : memref<1664xi32, #tpu.memory_space<vmem>> -> memref<128xi32, #tpu.memory_space<vmem>>
      %dma_start3A_114 = arith.constant 0 : i32
      %dma_start3A_115 = arith.constant 0 : i32
      %dma_start3A_116 = tpu.memref_slice %arg3[%dma_start3A_114, %dma_start3A_115] : memref<2600000x32xf32, #tpu.memory_space<hbm>> -> memref<2600000x32xf32, #tpu.memory_space<hbm>>
      tpu.enqueue_indirect_dma source(%dma_start3A_116 : memref<2600000x32xf32, #tpu.memory_space<hbm>>) target(%dma_start3A_111 : memref<128x32xf32, #tpu.memory_space<vmem>>) offsets(%dma_start3A_113 : memref<128xi32, #tpu.memory_space<vmem>>) semaphore(%arg7 : memref<!tpu.dma_semaphore, #tpu.memory_space<semaphore_mem>>)
      %dma_wait3A = arith.constant 0 : i32
      %dma_wait3A_117 = arith.constant 0 : i32
      %dma_wait3A_118 = tpu.memref_slice %arg6[%dma_wait3A, %dma_wait3A_117] : memref<1664x32xf32, #tpu.memory_space<vmem>> -> memref<128x32xf32, #tpu.memory_space<vmem>>
      %dma_wait3A_119 = arith.constant 0 : i32
      %dma_wait3A_120 = tpu.memref_slice %arg5[%dma_wait3A_119] : memref<1664xi32, #tpu.memory_space<vmem>> -> memref<128xi32, #tpu.memory_space<vmem>>
      %dma_wait3A_121 = arith.constant 0 : i32
      %dma_wait3A_122 = arith.constant 0 : i32
      %dma_wait3A_123 = tpu.memref_slice %arg3[%dma_wait3A_121, %dma_wait3A_122] : memref<2600000x32xf32, #tpu.memory_space<hbm>> -> memref<2600000x32xf32, #tpu.memory_space<hbm>>
      tpu.wait_indirect_dma semaphore(%arg7 : memref<!tpu.dma_semaphore, #tpu.memory_space<semaphore_mem>>) src(%dma_wait3A_123 : memref<2600000x32xf32, #tpu.memory_space<hbm>>) dst(%dma_wait3A_118 : memref<128x32xf32, #tpu.memory_space<vmem>>)
      %dma_wait3A_124 = arith.constant 128 : i32
      %dma_wait3A_125 = arith.constant 0 : i32
      %dma_wait3A_126 = tpu.memref_slice %arg6[%dma_wait3A_124, %dma_wait3A_125] : memref<1664x32xf32, #tpu.memory_space<vmem>> -> memref<128x32xf32, #tpu.memory_space<vmem>>
      %dma_wait3A_127 = arith.constant 128 : i32
      %dma_wait3A_128 = tpu.memref_slice %arg5[%dma_wait3A_127] : memref<1664xi32, #tpu.memory_space<vmem>> -> memref<128xi32, #tpu.memory_space<vmem>>
      %dma_wait3A_129 = arith.constant 0 : i32
      %dma_wait3A_130 = arith.constant 0 : i32
      %dma_wait3A_131 = tpu.memref_slice %arg3[%dma_wait3A_129, %dma_wait3A_130] : memref<2600000x32xf32, #tpu.memory_space<hbm>> -> memref<2600000x32xf32, #tpu.memory_space<hbm>>
      tpu.wait_indirect_dma semaphore(%arg7 : memref<!tpu.dma_semaphore, #tpu.memory_space<semaphore_mem>>) src(%dma_wait3A_131 : memref<2600000x32xf32, #tpu.memory_space<hbm>>) dst(%dma_wait3A_126 : memref<128x32xf32, #tpu.memory_space<vmem>>)
      %dma_wait3A_132 = arith.constant 256 : i32
      %dma_wait3A_133 = arith.constant 0 : i32
      %dma_wait3A_134 = tpu.memref_slice %arg6[%dma_wait3A_132, %dma_wait3A_133] : memref<1664x32xf32, #tpu.memory_space<vmem>> -> memref<128x32xf32, #tpu.memory_space<vmem>>
      %dma_wait3A_135 = arith.constant 256 : i32
      %dma_wait3A_136 = tpu.memref_slice %arg5[%dma_wait3A_135] : memref<1664xi32, #tpu.memory_space<vmem>> -> memref<128xi32, #tpu.memory_space<vmem>>
      %dma_wait3A_137 = arith.constant 0 : i32
      %dma_wait3A_138 = arith.constant 0 : i32
      %dma_wait3A_139 = tpu.memref_slice %arg3[%dma_wait3A_137, %dma_wait3A_138] : memref<2600000x32xf32, #tpu.memory_space<hbm>> -> memref<2600000x32xf32, #tpu.memory_space<hbm>>
      tpu.wait_indirect_dma semaphore(%arg7 : memref<!tpu.dma_semaphore, #tpu.memory_space<semaphore_mem>>) src(%dma_wait3A_139 : memref<2600000x32xf32, #tpu.memory_space<hbm>>) dst(%dma_wait3A_134 : memref<128x32xf32, #tpu.memory_space<vmem>>)
      %dma_wait3A_140 = arith.constant 384 : i32
      %dma_wait3A_141 = arith.constant 0 : i32
      %dma_wait3A_142 = tpu.memref_slice %arg6[%dma_wait3A_140, %dma_wait3A_141] : memref<1664x32xf32, #tpu.memory_space<vmem>> -> memref<128x32xf32, #tpu.memory_space<vmem>>
      %dma_wait3A_143 = arith.constant 384 : i32
      %dma_wait3A_144 = tpu.memref_slice %arg5[%dma_wait3A_143] : memref<1664xi32, #tpu.memory_space<vmem>> -> memref<128xi32, #tpu.memory_space<vmem>>
      %dma_wait3A_145 = arith.constant 0 : i32
      %dma_wait3A_146 = arith.constant 0 : i32
      %dma_wait3A_147 = tpu.memref_slice %arg3[%dma_wait3A_145, %dma_wait3A_146] : memref<2600000x32xf32, #tpu.memory_space<hbm>> -> memref<2600000x32xf32, #tpu.memory_space<hbm>>
      tpu.wait_indirect_dma semaphore(%arg7 : memref<!tpu.dma_semaphore, #tpu.memory_space<semaphore_mem>>) src(%dma_wait3A_147 : memref<2600000x32xf32, #tpu.memory_space<hbm>>) dst(%dma_wait3A_142 : memref<128x32xf32, #tpu.memory_space<vmem>>)
      %dma_wait3A_148 = arith.constant 512 : i32
      %dma_wait3A_149 = arith.constant 0 : i32
      %dma_wait3A_150 = tpu.memref_slice %arg6[%dma_wait3A_148, %dma_wait3A_149] : memref<1664x32xf32, #tpu.memory_space<vmem>> -> memref<128x32xf32, #tpu.memory_space<vmem>>
      %dma_wait3A_151 = arith.constant 512 : i32
      %dma_wait3A_152 = tpu.memref_slice %arg5[%dma_wait3A_151] : memref<1664xi32, #tpu.memory_space<vmem>> -> memref<128xi32, #tpu.memory_space<vmem>>
      %dma_wait3A_153 = arith.constant 0 : i32
      %dma_wait3A_154 = arith.constant 0 : i32
      %dma_wait3A_155 = tpu.memref_slice %arg3[%dma_wait3A_153, %dma_wait3A_154] : memref<2600000x32xf32, #tpu.memory_space<hbm>> -> memref<2600000x32xf32, #tpu.memory_space<hbm>>
      tpu.wait_indirect_dma semaphore(%arg7 : memref<!tpu.dma_semaphore, #tpu.memory_space<semaphore_mem>>) src(%dma_wait3A_155 : memref<2600000x32xf32, #tpu.memory_space<hbm>>) dst(%dma_wait3A_150 : memref<128x32xf32, #tpu.memory_space<vmem>>)
      %dma_wait3A_156 = arith.constant 640 : i32
      %dma_wait3A_157 = arith.constant 0 : i32
      %dma_wait3A_158 = tpu.memref_slice %arg6[%dma_wait3A_156, %dma_wait3A_157] : memref<1664x32xf32, #tpu.memory_space<vmem>> -> memref<128x32xf32, #tpu.memory_space<vmem>>
      %dma_wait3A_159 = arith.constant 640 : i32
      %dma_wait3A_160 = tpu.memref_slice %arg5[%dma_wait3A_159] : memref<1664xi32, #tpu.memory_space<vmem>> -> memref<128xi32, #tpu.memory_space<vmem>>
      %dma_wait3A_161 = arith.constant 0 : i32
      %dma_wait3A_162 = arith.constant 0 : i32
      %dma_wait3A_163 = tpu.memref_slice %arg3[%dma_wait3A_161, %dma_wait3A_162] : memref<2600000x32xf32, #tpu.memory_space<hbm>> -> memref<2600000x32xf32, #tpu.memory_space<hbm>>
      tpu.wait_indirect_dma semaphore(%arg7 : memref<!tpu.dma_semaphore, #tpu.memory_space<semaphore_mem>>) src(%dma_wait3A_163 : memref<2600000x32xf32, #tpu.memory_space<hbm>>) dst(%dma_wait3A_158 : memref<128x32xf32, #tpu.memory_space<vmem>>)
      %dma_wait3A_164 = arith.constant 768 : i32
      %dma_wait3A_165 = arith.constant 0 : i32
      %dma_wait3A_166 = tpu.memref_slice %arg6[%dma_wait3A_164, %dma_wait3A_165] : memref<1664x32xf32, #tpu.memory_space<vmem>> -> memref<128x32xf32, #tpu.memory_space<vmem>>
      %dma_wait3A_167 = arith.constant 768 : i32
      %dma_wait3A_168 = tpu.memref_slice %arg5[%dma_wait3A_167] : memref<1664xi32, #tpu.memory_space<vmem>> -> memref<128xi32, #tpu.memory_space<vmem>>
      %dma_wait3A_169 = arith.constant 0 : i32
      %dma_wait3A_170 = arith.constant 0 : i32
      %dma_wait3A_171 = tpu.memref_slice %arg3[%dma_wait3A_169, %dma_wait3A_170] : memref<2600000x32xf32, #tpu.memory_space<hbm>> -> memref<2600000x32xf32, #tpu.memory_space<hbm>>
      tpu.wait_indirect_dma semaphore(%arg7 : memref<!tpu.dma_semaphore, #tpu.memory_space<semaphore_mem>>) src(%dma_wait3A_171 : memref<2600000x32xf32, #tpu.memory_space<hbm>>) dst(%dma_wait3A_166 : memref<128x32xf32, #tpu.memory_space<vmem>>)
      %dma_wait3A_172 = arith.constant 896 : i32
      %dma_wait3A_173 = arith.constant 0 : i32
      %dma_wait3A_174 = tpu.memref_slice %arg6[%dma_wait3A_172, %dma_wait3A_173] : memref<1664x32xf32, #tpu.memory_space<vmem>> -> memref<128x32xf32, #tpu.memory_space<vmem>>
      %dma_wait3A_175 = arith.constant 896 : i32
      %dma_wait3A_176 = tpu.memref_slice %arg5[%dma_wait3A_175] : memref<1664xi32, #tpu.memory_space<vmem>> -> memref<128xi32, #tpu.memory_space<vmem>>
      %dma_wait3A_177 = arith.constant 0 : i32
      %dma_wait3A_178 = arith.constant 0 : i32
      %dma_wait3A_179 = tpu.memref_slice %arg3[%dma_wait3A_177, %dma_wait3A_178] : memref<2600000x32xf32, #tpu.memory_space<hbm>> -> memref<2600000x32xf32, #tpu.memory_space<hbm>>
      tpu.wait_indirect_dma semaphore(%arg7 : memref<!tpu.dma_semaphore, #tpu.memory_space<semaphore_mem>>) src(%dma_wait3A_179 : memref<2600000x32xf32, #tpu.memory_space<hbm>>) dst(%dma_wait3A_174 : memref<128x32xf32, #tpu.memory_space<vmem>>)
      %dma_wait3A_180 = arith.constant 1024 : i32
      %dma_wait3A_181 = arith.constant 0 : i32
      %dma_wait3A_182 = tpu.memref_slice %arg6[%dma_wait3A_180, %dma_wait3A_181] : memref<1664x32xf32, #tpu.memory_space<vmem>> -> memref<128x32xf32, #tpu.memory_space<vmem>>
      %dma_wait3A_183 = arith.constant 1024 : i32
      %dma_wait3A_184 = tpu.memref_slice %arg5[%dma_wait3A_183] : memref<1664xi32, #tpu.memory_space<vmem>> -> memref<128xi32, #tpu.memory_space<vmem>>
      %dma_wait3A_185 = arith.constant 0 : i32
      %dma_wait3A_186 = arith.constant 0 : i32
      %dma_wait3A_187 = tpu.memref_slice %arg3[%dma_wait3A_185, %dma_wait3A_186] : memref<2600000x32xf32, #tpu.memory_space<hbm>> -> memref<2600000x32xf32, #tpu.memory_space<hbm>>
      tpu.wait_indirect_dma semaphore(%arg7 : memref<!tpu.dma_semaphore, #tpu.memory_space<semaphore_mem>>) src(%dma_wait3A_187 : memref<2600000x32xf32, #tpu.memory_space<hbm>>) dst(%dma_wait3A_182 : memref<128x32xf32, #tpu.memory_space<vmem>>)
      %dma_wait3A_188 = arith.constant 1152 : i32
      %dma_wait3A_189 = arith.constant 0 : i32
      %dma_wait3A_190 = tpu.memref_slice %arg6[%dma_wait3A_188, %dma_wait3A_189] : memref<1664x32xf32, #tpu.memory_space<vmem>> -> memref<128x32xf32, #tpu.memory_space<vmem>>
      %dma_wait3A_191 = arith.constant 1152 : i32
      %dma_wait3A_192 = tpu.memref_slice %arg5[%dma_wait3A_191] : memref<1664xi32, #tpu.memory_space<vmem>> -> memref<128xi32, #tpu.memory_space<vmem>>
      %dma_wait3A_193 = arith.constant 0 : i32
      %dma_wait3A_194 = arith.constant 0 : i32
      %dma_wait3A_195 = tpu.memref_slice %arg3[%dma_wait3A_193, %dma_wait3A_194] : memref<2600000x32xf32, #tpu.memory_space<hbm>> -> memref<2600000x32xf32, #tpu.memory_space<hbm>>
      tpu.wait_indirect_dma semaphore(%arg7 : memref<!tpu.dma_semaphore, #tpu.memory_space<semaphore_mem>>) src(%dma_wait3A_195 : memref<2600000x32xf32, #tpu.memory_space<hbm>>) dst(%dma_wait3A_190 : memref<128x32xf32, #tpu.memory_space<vmem>>)
      %dma_wait3A_196 = arith.constant 1280 : i32
      %dma_wait3A_197 = arith.constant 0 : i32
      %dma_wait3A_198 = tpu.memref_slice %arg6[%dma_wait3A_196, %dma_wait3A_197] : memref<1664x32xf32, #tpu.memory_space<vmem>> -> memref<128x32xf32, #tpu.memory_space<vmem>>
      %dma_wait3A_199 = arith.constant 1280 : i32
      %dma_wait3A_200 = tpu.memref_slice %arg5[%dma_wait3A_199] : memref<1664xi32, #tpu.memory_space<vmem>> -> memref<128xi32, #tpu.memory_space<vmem>>
      %dma_wait3A_201 = arith.constant 0 : i32
      %dma_wait3A_202 = arith.constant 0 : i32
      %dma_wait3A_203 = tpu.memref_slice %arg3[%dma_wait3A_201, %dma_wait3A_202] : memref<2600000x32xf32, #tpu.memory_space<hbm>> -> memref<2600000x32xf32, #tpu.memory_space<hbm>>
      tpu.wait_indirect_dma semaphore(%arg7 : memref<!tpu.dma_semaphore, #tpu.memory_space<semaphore_mem>>) src(%dma_wait3A_203 : memref<2600000x32xf32, #tpu.memory_space<hbm>>) dst(%dma_wait3A_198 : memref<128x32xf32, #tpu.memory_space<vmem>>)
      %dma_wait3A_204 = arith.constant 1408 : i32
      %dma_wait3A_205 = arith.constant 0 : i32
      %dma_wait3A_206 = tpu.memref_slice %arg6[%dma_wait3A_204, %dma_wait3A_205] : memref<1664x32xf32, #tpu.memory_space<vmem>> -> memref<128x32xf32, #tpu.memory_space<vmem>>
      %dma_wait3A_207 = arith.constant 1408 : i32
      %dma_wait3A_208 = tpu.memref_slice %arg5[%dma_wait3A_207] : memref<1664xi32, #tpu.memory_space<vmem>> -> memref<128xi32, #tpu.memory_space<vmem>>
      %dma_wait3A_209 = arith.constant 0 : i32
      %dma_wait3A_210 = arith.constant 0 : i32
      %dma_wait3A_211 = tpu.memref_slice %arg3[%dma_wait3A_209, %dma_wait3A_210] : memref<2600000x32xf32, #tpu.memory_space<hbm>> -> memref<2600000x32xf32, #tpu.memory_space<hbm>>
      tpu.wait_indirect_dma semaphore(%arg7 : memref<!tpu.dma_semaphore, #tpu.memory_space<semaphore_mem>>) src(%dma_wait3A_211 : memref<2600000x32xf32, #tpu.memory_space<hbm>>) dst(%dma_wait3A_206 : memref<128x32xf32, #tpu.memory_space<vmem>>)
      %dma_wait3A_212 = arith.constant 1536 : i32
      %dma_wait3A_213 = arith.constant 0 : i32
      %dma_wait3A_214 = tpu.memref_slice %arg6[%dma_wait3A_212, %dma_wait3A_213] : memref<1664x32xf32, #tpu.memory_space<vmem>> -> memref<128x32xf32, #tpu.memory_space<vmem>>
      %dma_wait3A_215 = arith.constant 1536 : i32
      %dma_wait3A_216 = tpu.memref_slice %arg5[%dma_wait3A_215] : memref<1664xi32, #tpu.memory_space<vmem>> -> memref<128xi32, #tpu.memory_space<vmem>>
      %dma_wait3A_217 = arith.constant 0 : i32
      %dma_wait3A_218 = arith.constant 0 : i32
      %dma_wait3A_219 = tpu.memref_slice %arg3[%dma_wait3A_217, %dma_wait3A_218] : memref<2600000x32xf32, #tpu.memory_space<hbm>> -> memref<2600000x32xf32, #tpu.memory_space<hbm>>
      tpu.wait_indirect_dma semaphore(%arg7 : memref<!tpu.dma_semaphore, #tpu.memory_space<semaphore_mem>>) src(%dma_wait3A_219 : memref<2600000x32xf32, #tpu.memory_space<hbm>>) dst(%dma_wait3A_214 : memref<128x32xf32, #tpu.memory_space<vmem>>)
      %mul3A_220 = arith.constant 26 : i32
      %mul3A_221 = arith.muli %add3A_11, %mul3A_220 : i32
      "tpu.region"() ({
        %run_scoped3A = tpu.sem_alloc : memref<!tpu.dma_semaphore, #tpu.memory_space<semaphore_mem>>
        %dma_start3A_222 = arith.constant 0 : i32
        %dma_start3A_223 = tpu.memref_slice %arg4[%mul3A_221, %dma_start3A_222] : memref<425984x32xf32, #tpu.memory_space<hbm>> -> memref<1664x32xf32, #tpu.memory_space<hbm>>
        %dma_start3A_224 = arith.constant 0 : i32
        %dma_start3A_225 = tpu.memref_slice %arg4[%mul3A_221, %dma_start3A_224] : memref<425984x32xf32, #tpu.memory_space<hbm>> -> memref<1664x32xf32, #tpu.memory_space<hbm>>
        tpu.enqueue_dma source(%arg6 : memref<1664x32xf32, #tpu.memory_space<vmem>>) target(%dma_start3A_225 : memref<1664x32xf32, #tpu.memory_space<hbm>>) target_semaphore(%run_scoped3A : memref<!tpu.dma_semaphore, #tpu.memory_space<semaphore_mem>>)
        %dma_wait3A_226 = arith.constant 0 : i32
        %dma_wait3A_227 = tpu.memref_slice %arg4[%mul3A_221, %dma_wait3A_226] : memref<425984x32xf32, #tpu.memory_space<hbm>> -> memref<1664x32xf32, #tpu.memory_space<hbm>>
        %dma_wait3A_228 = arith.constant 0 : i32
        %dma_wait3A_229 = tpu.memref_slice %arg4[%mul3A_221, %dma_wait3A_228] : memref<425984x32xf32, #tpu.memory_space<hbm>> -> memref<1664x32xf32, #tpu.memory_space<hbm>>
        tpu.wait_dma2 semaphore(%run_scoped3A : memref<!tpu.dma_semaphore, #tpu.memory_space<semaphore_mem>>) src(%arg6 : memref<1664x32xf32, #tpu.memory_space<vmem>>) dst(%dma_wait3A_229 : memref<1664x32xf32, #tpu.memory_space<hbm>>)
        tpu.yield
      }) : () -> ()
    }
    %scan3A_5 = arith.constant 8 : i32
    return
  }
}

module attributes {stable_mosaic.version = 14 : i64} {
  func.func @_concat_body(%arg0: i32, %arg1: memref<512x13xf32, #tpu.memory_space<vmem>>, %arg2: memref<512x832xf32, #tpu.memory_space<vmem>>, %arg3: memref<512x845xf32, #tpu.memory_space<vmem>>) attributes {dimension_semantics = [#tpu.dimension_semantics<arbitrary>], iteration_bounds = array<i64: 32>, scalar_prefetch = 0 : i64, scratch_operands = 0 : i64, tpu.core_type = #tpu.core_type<tc>, window_params = [{transform_indices = @transform_0, window_bounds = array<i64: 512, 13>}, {transform_indices = @transform_1, window_bounds = array<i64: 512, 832>}, {transform_indices = @transform_2, window_bounds = array<i64: 512, 845>}]} {
    %get3A = arith.constant 0 : index
    %get3A_0 = arith.constant 0 : index
    %get3A_1 = vector.load %arg1[%get3A, %get3A_0] : memref<512x13xf32, #tpu.memory_space<vmem>>, vector<512x13xf32>
    %swap3A = arith.constant 0 : index
    %swap3A_2 = arith.constant 0 : index
    %swap3A_3 = vector.load %arg3[%swap3A, %swap3A_2] : memref<512x845xf32, #tpu.memory_space<vmem>>, vector<512x13xf32>
    tpu.vector_store %arg3[%swap3A, %swap3A_2], %get3A_1 {strides = array<i32>} : memref<512x845xf32, #tpu.memory_space<vmem>>, vector<512x13xf32>,
    %get3A_4 = arith.constant 0 : index
    %get3A_5 = arith.constant 0 : index
    %get3A_6 = vector.load %arg2[%get3A_4, %get3A_5] : memref<512x832xf32, #tpu.memory_space<vmem>>, vector<512x832xf32>
    %swap3A_7 = arith.constant 0 : index
    %swap3A_8 = arith.constant 13 : index
    %swap3A_9 = vector.load %arg3[%swap3A_7, %swap3A_8] : memref<512x845xf32, #tpu.memory_space<vmem>>, vector<512x832xf32>
    tpu.vector_store %arg3[%swap3A_7, %swap3A_8], %get3A_6 {strides = array<i32>} : memref<512x845xf32, #tpu.memory_space<vmem>>, vector<512x832xf32>,
    return
  }
  func.func @transform_0(%arg0: i32) -> (i32, i32) {
    %c0_i32 = arith.constant 0 : i32
    %c0_i32_0 = arith.constant 0 : i32
    return %arg0, %c0_i32 : i32, i32
  }
  func.func @transform_1(%arg0: i32) -> (i32, i32) {
    %c0_i32 = arith.constant 0 : i32
    %c0_i32_0 = arith.constant 0 : i32
    return %arg0, %c0_i32 : i32, i32
  }
  func.func @transform_2(%arg0: i32) -> (i32, i32) {
    %c0_i32 = arith.constant 0 : i32
    %c0_i32_0 = arith.constant 0 : i32
    return %arg0, %c0_i32 : i32, i32
  }
}

</mosaic_0001>

<sc_bundles>
// kernel: _embed.4.cloned.1.call-start
scs
__scs_entry_jumppad:
0x0: {  	(pc) =	sbr.rel $0x88, $3  }
0x1: {  	(tag) =	ssettag $0x0;
	lr =	simm.s32 $0x1  }
0x2: {  	[smem:$0x3F9E] =	sst lr;
	_ =	strace $0xD0000000  }
0x3: {  	_ = 	snop  }
0x4: {  	_ = 	snop  }
0x5: {  	_ = 	snop  }
0x6: {  	_ = 	snop  }
0x7: {  	_ = 	snop  }
__scs_overlays_trampoline_lowered:
0x8: {  	[smem:$0x3FAD] =	sst s0  }
0x9: {  	[smem:$0x3FAE] =	sst s1  }
0xa: {  	[smem:$0x3FAF] =	sst s2  }
0xb: {  	[smem:$0x3FB0] =	sst s3  }
0xc: {  	[smem:$0x3FB1] =	sst s4  }
0xd: {  	[smem:$0x3FB2] =	sst s5  }
0xe: {  	[smem:$0x3FB3] =	sst s6  }
0xf: {  	[smem:$0x3FB4] =	sst s7  }
0x10: {  	[smem:$0x3FB5] =	sst s8  }
0x11: {  	[smem:$0x3FB6] =	sst s9;
	s0 =	simm.s32 @!p0 $0x0  }
0x12: {  	s1 =	sld [smem:$0x3F9C];
	s0 =	simm.s32 @p0 $0x1  }
0x13: {  	[smem:$0x3FB7] =	sst s0;
	s0 =	simm.s32 @!p1 $0x0  }
0x14: {  	s2 =	sld [smem:$0x3F9B];
	s0 =	simm.s32 @p1 $0x1  }
0x15: {  	[smem:$0x3FB8] =	sst s0;
	s0 =	simm.s32 @!p2 $0x0  }
0x16: {  	s3 =	sld [smem:$0x3FDB];
	s0 =	simm.s32 @p2 $0x1  }
0x17: {  	s4 =	simm.s32 $0x1BF5;
	[smem:$0x3FBA] =	sst s0  }
0x18: {  	s0 =	sld [smem:$0x3F9D];
	_ =	swait.ge [sflag:s4], $0x0  }
0x19: {  	s7 =	sld [smem:$0x3F9E]  }
0x1a: {  	s8 =	sadd.s32 $0xFFFFE003, lr  }
0x1b: {  	s9 =	sadd.s32 $0xFFFFFEF7, lr;
	s5 =	simm.s32 $0xFFFFFFFF;
	p2 =	slt.u32 s8, $0xFFFFF086  }
0x1c: {  	p1 =	slt.u32 s9, $0xF7A;
	s5 =	simm.s32 @!p2 $0x0  }
0x1d: {  	s5 =	simm.s32 @p1 $0x1;
	p0 =	seq.s32 s7, s2  }
0x1e: {  	s7 =	smul.u32 @!p0 $0xF7A, s2;
	p2 =	seq.s32 @!p0 s5, $0x0  }
0x1f: {  	s9 =	smul.u32 $0xF7A, s1;
	s8 =	simm.s32 @!p0 $0x1BF5;
	p2 =	por !p2, p0  }
0x20: {  	[sflag:s8] =	ssyncset.s32 @!p0 $0xFFFFF086;
	s6 =	sadd.s32 @!p0 s3, s7;
	s7 =	simm.s32 @!p0 $0x108  }
0x21: {  	s3 =	sadd.s32 s3, s9;
	s6 =	sadd.s32 @!p0 $0x88, s6;
	s7 =	simm.s32 @p2 $0x1082  }
0x22: {  	[simem:s7], [sflag:s8] =	dma.local @!p0 [hbm:s6], $0xF7A  }
0x23: {  	s9 =	sor.u32 $0xD0000000, s2;
	s6 =	simm.s32 $0x108;
	_ =	swait.ge @!p0 [sflag:s8], $0x0  }
0x24: {  	s3 =	sadd.s32 $0x88, s3;
	s6 =	simm.s32 @!p1 $0x1082;
	[sflag:s4] =	ssyncset.s32 $0xFFFFF086  }
0x25: {  	[simem:s6], [sflag:s4] =	dma.local [hbm:s3], $0xF7A  }
0x26: {  	[smem:$0x3F9E] =	sst s1;
	(tag) =	ssettag s2;
	_ =	strace s9  }
0x27: {  	s1 =	sld [smem:$0x3FAE]  }
0x28: {  	s2 =	sld [smem:$0x3FAF]  }
0x29: {  	s4 =	sld [smem:$0x3FB1]  }
0x2a: {  	p0 =	seq.s32 s5, $0x0;
	s5 =	sld [smem:$0x3FB2]  }
0x2b: {  	s6 =	sld [smem:$0x3FB3]  }
0x2c: {  	s7 =	sld [smem:$0x3FB4]  }
0x2d: {  	s3 =	simm.s32 $0x108;
	s8 =	sld [smem:$0x3FB5]  }
0x2e: {  	s3 =	simm.s32 @!p0 $0x1082;
	s9 =	sld [smem:$0x3FB6]  }
0x2f: {  	lr =	sadd.s32 s0, s3;
	s0 =	sld [smem:$0x3FAD]  }
0x30: {  	s3 =	sld [smem:$0x3FB0]  }
0x31: {  	[smem:$0x3FB9] =	sst s10  }
0x32: {  	s10 =	sld [smem:$0x3FB7];
	_ =	sdelay $0x3  }
0x33: {  	p0 =	seq.s32 s10, $0x1;
	s10 =	sld [smem:$0x3FB9];
	_ =	sdelay $0x3  }
0x34: {  	[smem:$0x3FB9] =	sst s10  }
0x35: {  	s10 =	sld [smem:$0x3FB8];
	_ =	sdelay $0x3  }
0x36: {  	p1 =	seq.s32 s10, $0x1;
	s10 =	sld [smem:$0x3FB9];
	_ =	sdelay $0x3  }
0x37: {  	[smem:$0x3FB9] =	sst s10  }
0x38: {  	s10 =	sld [smem:$0x3FBA]  }
0x39: {  	_ = 	snop;
	(pc) =	sbr.ind lr, $3  }
0x3a: {  	_ = 	snop  }
0x3b: {  	_ = 	snop  }
0x3c: {  	p2 =	seq.s32 s10, $0x1;
	s10 =	sld [smem:$0x3FB9]  }
0x3d: {  	_ =	shalt  }
0x3e: {  	_ =	shalt  }
0x3f: {  	_ =	shalt  }
0x40: {  	_ =	shalt  }
0x41: {  	_ =	shalt  }
0x42: {  	_ =	shalt  }
0x43: {  	_ =	shalt  }
0x44: {  	_ =	shalt  }
0x45: {  	_ =	shalt  }
0x46: {  	_ =	shalt  }
0x47: {  	_ =	shalt  }
0x48: {  	_ =	shalt  }
0x49: {  	_ =	shalt  }
0x4a: {  	_ =	shalt  }
0x4b: {  	_ =	shalt  }
0x4c: {  	_ =	shalt  }
0x4d: {  	_ =	shalt  }
0x4e: {  	_ =	shalt  }
0x4f: {  	_ =	shalt  }
0x50: {  	_ =	shalt  }
0x51: {  	_ =	shalt  }
0x52: {  	_ =	shalt  }
0x53: {  	_ =	shalt  }
0x54: {  	_ =	shalt  }
0x55: {  	_ =	shalt  }
0x56: {  	_ =	shalt  }
0x57: {  	_ =	shalt  }
0x58: {  	_ =	shalt  }
0x59: {  	_ =	shalt  }
0x5a: {  	_ =	shalt  }
0x5b: {  	_ =	shalt  }
0x5c: {  	_ =	shalt  }
0x5d: {  	_ =	shalt  }
0x5e: {  	_ =	shalt  }
0x5f: {  	_ =	shalt  }
0x60: {  	_ =	shalt  }
0x61: {  	_ =	shalt  }
0x62: {  	_ =	shalt  }
0x63: {  	_ =	shalt  }
0x64: {  	_ =	shalt  }
0x65: {  	_ =	shalt  }
0x66: {  	_ =	shalt  }
0x67: {  	_ =	shalt  }
0x68: {  	_ =	shalt  }
0x69: {  	_ =	shalt  }
0x6a: {  	_ =	shalt  }
0x6b: {  	_ =	shalt  }
0x6c: {  	_ =	shalt  }
0x6d: {  	_ =	shalt  }
0x6e: {  	_ =	shalt  }
0x6f: {  	_ =	shalt  }
0x70: {  	_ =	shalt  }
0x71: {  	_ =	shalt  }
0x72: {  	_ =	shalt  }
0x73: {  	_ =	shalt  }
0x74: {  	_ =	shalt  }
0x75: {  	_ =	shalt  }
0x76: {  	_ =	shalt  }
0x77: {  	_ =	shalt  }
0x78: {  	_ =	shalt  }
0x79: {  	_ =	shalt  }
0x7a: {  	_ =	shalt  }
0x7b: {  	_ =	shalt  }
0x7c: {  	_ =	shalt  }
0x7d: {  	_ =	shalt  }
0x7e: {  	_ =	shalt  }
0x7f: {  	_ =	shalt  }
0x80: {  	_ =	shalt  }
0x81: {  	_ =	shalt  }
0x82: {  	_ =	shalt  }
0x83: {  	_ =	shalt  }
0x84: {  	_ =	shalt  }
0x85: {  	_ =	shalt  }
0x86: {  	_ =	shalt  }
0x87: {  	_ =	shalt  }
.Lfunc_end0:
.L_simem_size_0:
called_computation_lowered:
.L_overlay_start_0:
0x88: {  	s2 =	sld [smem:$0x3FD9]  }
0x89: {  	s3 =	sld [smem:$0x3FFE];
	_ =	sdelay $0x1  }
0x8a: {  	s1 =	srdreg.scid  }
0x8b: {  	s0 =	sand.u32 $0x1, s1  }
0x8c: {  	s17 =	sshll.u32 s0, $0xA;
	s2 =	sadd.s32 s3, s2  }
0x8d: {  	s2 =	sadd.s32 s2, s17  }
0x8e: {  	[smem:$0x3FC5] =	sst s2  }
0x8f: {  	_ = 	snop  }
0x90: {  	s2 =	sld [smem:$0x3FC8]  }
0x91: {  	s18 =	sld [smem:$0x3FD0];
	(tm) =	ssettm $0x1  }
0x92: {  	s4 =	sld [smem:$0x3FFB];
	_ =	sdelay $0x3  }
0x93: {  	_ =	strace s4  }
0x94: {  	s4 =	sld [smem:$0x3FFC];
	_ =	sdelay $0x3  }
0x95: {  	_ =	strace s4  }
0x96: {  	s4 =	sld [smem:$0x3FFD];
	_ =	sdelay $0x3  }
0x97: {  	_ =	strace s4  }
0x98: {  	_ =	strace $0x8FFFFFFF  }
0x99: {  	s19 =	sld [smem:$0x3FDB];
	_ =	sdelay $0x1  }
0x9a: {  	s5 =	simm.s32 $_scs_section_size  }
0x9b: {  	s6 =	simm.s32 $_size__tile_overlayer_lowered;
	s7 =	simm.s32 $_tile_overlayer_lowered  }
0x9c: {  	s22 =	simm.s32 $0x1BFF;
	s21 =	sshll.u32 s7, $0x1;
	s4 =	sadd.s32 s5, s19  }
0x9d: {  	s8 =	simm.s32 $0x0;
	s20 =	sshll.u32 s6, $0x1;
	s6 =	sadd.s32 s21, s4  }
0x9e: {  	[timem:s8], [sflag:s22] =	dma.local [hbm:s6], s20  }
0x9f: {  	_ =	swait.ge [sflag:s22], s20  }
0xa0: {  	s5 =	ssub.s32 $0x0, s20;
	[sflag:s22] =	ssyncset.done $0x0  }
0xa1: {  	[sflag:s22] =	ssyncadd.s32 s5;
	_ =	sdelay $0x1  }
0xa2: {  	s23 =	simm.s32 $0x1B8B  }
0xa3: {  	_ =	swait.ge [sflag:s23], $0x1  }
0xa4: {  	[sflag:s23] =	ssyncset.done $0x0  }
0xa5: {  	s25 =	simm.s32 $0x1B8E;
	s24 =	sld [smem:$0x3FFE];
	[sflag:s23] =	ssyncadd.s32 $0xFFFFFFFF  }
0xa6: {  	s26 =	simm.s32 $execute0_lowered;
	[smem:$0x3FD2] =	sst s25  }
0xa7: {  	s6 =	sshll.u32 s26, $0x1;
	_ =	strace $0x80000046;
	[dreg:$0x1] =	wrdreg $0xFFFFFFFF  }
0xa8: {  	s28 =	simm.s32 $_size_execute0_lowered;
	s4 =	sadd.s32 s4, s6;
	[dreg:$0x0] =	wrdreg $0x0  }
0xa9: {  	s6 =	sshll.u32 s28, $0x1;
	[dreg:$0x2] =	wrdreg s4  }
0xaa: {  	[dreg:$0x3] =	wrdreg s6  }
0xab: {  	[dreg:$0x4] =	wrdreg $0xC0  }
0xac: {  	_ =	task [dreg:s8], $0x5FFFF  }
0xad: {  	[dreg:$0x1] =	wrdreg $0xFFFFFFFF  }
0xae: {  	[dreg:$0x0] =	wrdreg $0x60  }
0xaf: {  	[dreg:$0x2] =	wrdreg s2  }
0xb0: {  	[dreg:$0x3] =	wrdreg s24  }
0xb1: {  	[dreg:$0x4] =	wrdreg s18  }
0xb2: {  	[dreg:$0x5] =	wrdreg $0x9  }
0xb3: {  	_ =	task.clear_ibuf [dreg:s8], $0x6FFFF;
	_ =	strace $0x90000046  }
0xb4: {  	s29 =	simm.s32 $0x9;
	_ =	strace $0x80000048  }
0xb5: {  	_ =	swait.ge [sflag:s29], $0x1  }
0xb6: {  	[sflag:s29] =	ssyncadd.s32 $0xFFFFFFFF  }
0xb7: {  	_ =	strace $0x90000048  }
0xb8: {  	_ =	sfence  }
0xb9: {  	s30 =	sld [smem:$0x0];
	_ =	sdelay $0x2  }
0xba: {  	s31 =	sshll.u32 s1, $0xD;
	s1 =	sshrl.u32 s1, $0x2  }
0xbb: {  	s3 =	sand.u32 $0x4000, s31;
	s1 =	sadd.s32 s1, s30  }
0xbc: {  	s0 =	sor.u32 s3, s0;
	s1 =	sshll.u32 s1, $0x11  }
0xbd: {  	s0 =	sor.u32 s1, s0  }
0xbe: {  	s0 =	sadd.s32 $0x8F2B, s0  }
0xbf: {  	[sflag:s0] =	ssyncadd.remote.s32 $0x1  }
0xc0: {  	_ =	sfence.sel $0xFFFF  }
0xc1: {  	[dreg:$0x0] =	wrdreg $0xFFFFFFFF;
	(pc) =	sbr.abs _section_cstart, $3  }
0xc2: {  	[dreg:$0x1] =	wrdreg $0xFFFFFFFF  }
0xc3: {  	_ =	task.clear_ibuf [dreg:s8], $0x2FFFF;
	_ =	strace $0x9FFFFFFF  }
0xc4: {  	(tm) =	ssettm $0x7FFFFFFF  }
0xc5: {  	_ =	shalt  }
tec
execute0_lowered:
.L_overlay_start_1:
0x0: {  	(tag) =	ssettag $0x1  }
0x1: {  	s0 =	rddreg [dreg:$0x0]  }
0x2: {  	s1 =	rddreg [dreg:$0x1]  }
0x3: {  	s4 =	rddreg [dreg:$0x2]  }
0x4: {  	s3 =	srdreg.scid;
	s9 =	stileid.u32  }
0x5: {  	s2 =	simm.s32 $0x0;
	s25 =	simm.s32 $0x1680;
	s26 =	simm.s32 $0x100  }
0x6: {  	s31 =	simm.s32 $0x2680;
	s10 =	simm.s32 $0x3680;
	s11 =	simm.s32 $0x200  }
0x7: {  	s12 =	simm.s32 $0x4680;
	s13 =	simm.s32 $0x280;
	s14 =	simm.s32 $0x5680  }
0x8: {  	s15 =	simm.s32 $0x300;
	s16 =	simm.s32 $0x6680;
	s17 =	simm.s32 $0x380  }
0x9: {  	s18 =	simm.s32 $0x7680;
	s19 =	simm.s32 $0x400;
	s20 =	simm.s32 $0x8680  }
0xa: {  	s28 =	simm.s32 $0x600;
	s29 =	simm.s32 $0xC680;
	s30 =	simm.s32 $0x1  }
0xb: {  	s5 =	sand.u32 $0x1, s3;
	s6 =	smul.u32 $0x6800, s9;
	[smem:$0x7FF] =	sst s2  }
0xc: {  	s22 =	smul.u32 $0x1A000, s9;
	_ =	strace $0x80000047;
	[dreg:$0x5] =	wrdreg s25  }
0xd: {  	s3 =	sadd.s32 $0x27ACA00, s1;
	s7 =	smul.u32 $0x3400, s5;
	[dreg:$0x6] =	wrdreg s26  }
0xe: {  	s21 =	ssub.s32 $0x2, s5;
	s5 =	smul.u32 $0xD000, s5;
	[dreg:$0x7] =	wrdreg s31  }
0xf: {  	s25 =	simm.s32 $0x580;
	s26 =	simm.s32 $0xB680;
	s8 =	sshrl.u32 s21, $0x1  }
0x10: {  	s23 =	sadd.s32 s22, s4;
	s22 =	simm.s32 $0x9680;
	s6 =	sadd.s32 s7, s6  }
0x11: {  	s1 =	ssub.s32 s21, s8;
	s24 =	sadd.s32 s5, s23;
	s7 =	simm.s32 $0x80  }
0x12: {  	s8 =	simm.s32 $0x680;
	s21 =	simm.s32 $0x480;
	s23 =	simm.s32 $0x500  }
0x13: {  	s6 =	sshrl.u32 s6, $0x3;
	s1 =	smax.u32 s1, $0x1;
	[dreg:$0x9] =	wrdreg s24  }
0x14: {  	s24 =	simm.s32 $0xA680;
	[dreg:$0x8] =	wrdreg s1;
	s0 =	sadd.s32 s6, s0  }
0x15: {  	s6 =	simm.s32 $0x2;
	s1 =	simm.s32 $0x0;
	[dreg:$0x4] =	wrdreg s0  }
.LBB2_1:
0x16: {  	s0 =	rddreg [dreg:$0x4]  }
0x17: {  	[dreg:$0xa] =	wrdreg s1;
	s0 =	sadd.s32 $0x0, s0  }
0x18: {  	[tilespmem:s2], [sflag:$0x2] =	stream.linear.gather [hbm4b:s0+s2], $0x680, $0x38;
	[tilespmem:$0xD680] =	vst v63  }
0x19: {  	_ =	swait.ge [sflag:s6], $0x680  }
0x1a: {  	[sflag:s6] =	ssyncset.done $0x0  }
0x1b: {  	s5 =	rddreg [dreg:$0x7];
	[sflag:s6] =	ssyncadd.s32 $0xFFFFF980  }
0x1c: {  	[tilespmem:s8], [sflag:$0x1] =	stream.indirect.gather [hbm4b:s3+s7], $0x20, s2, s7, $0xb8;
	[tilespmem:$0xD680] =	vst v63  }
0x1d: {  	s9 =	rddreg [dreg:$0x5]  }
0x1e: {  	[tilespmem:s9], [sflag:$0x1] =	stream.indirect.gather [hbm4b:s3+s7], $0x20, s7, s7, $0xb8;
	[tilespmem:$0xD680] =	vst v63  }
0x1f: {  	s4 =	rddreg [dreg:$0x6]  }
0x20: {  	[tilespmem:s5], [sflag:$0x1] =	stream.indirect.gather [hbm4b:s3+s7], $0x20, s4, s7, $0xb8;
	[tilespmem:$0xD680] =	vst v63  }
0x21: {  	s31 =	simm.s32 $0x180  }
0x22: {  	[tilespmem:s10], [sflag:$0x1] =	stream.indirect.gather [hbm4b:s3+s7], $0x20, s31, s7, $0xb8;
	[tilespmem:$0xD680] =	vst v63  }
0x23: {  	_ = 	snop  }
0x24: {  	[tilespmem:s12], [sflag:$0x1] =	stream.indirect.gather [hbm4b:s3+s7], $0x20, s11, s7, $0xb8;
	[tilespmem:$0xD680] =	vst v63  }
0x25: {  	_ = 	snop  }
0x26: {  	[tilespmem:s14], [sflag:$0x1] =	stream.indirect.gather [hbm4b:s3+s7], $0x20, s13, s7, $0xb8;
	[tilespmem:$0xD680] =	vst v63  }
0x27: {  	_ = 	snop  }
0x28: {  	[tilespmem:s16], [sflag:$0x1] =	stream.indirect.gather [hbm4b:s3+s7], $0x20, s15, s7, $0xb8;
	[tilespmem:$0xD680] =	vst v63  }
0x29: {  	_ = 	snop  }
0x2a: {  	[tilespmem:s18], [sflag:$0x1] =	stream.indirect.gather [hbm4b:s3+s7], $0x20, s17, s7, $0xb8;
	[tilespmem:$0xD680] =	vst v63  }
0x2b: {  	_ = 	snop  }
0x2c: {  	[tilespmem:s20], [sflag:$0x1] =	stream.indirect.gather [hbm4b:s3+s7], $0x20, s19, s7, $0xb8;
	[tilespmem:$0xD680] =	vst v63  }
0x2d: {  	_ = 	snop  }
0x2e: {  	[tilespmem:s22], [sflag:$0x1] =	stream.indirect.gather [hbm4b:s3+s7], $0x20, s21, s7, $0xb8;
	[tilespmem:$0xD680] =	vst v63  }
0x2f: {  	_ = 	snop  }
0x30: {  	[tilespmem:s24], [sflag:$0x1] =	stream.indirect.gather [hbm4b:s3+s7], $0x20, s23, s7, $0xb8;
	[tilespmem:$0xD680] =	vst v63  }
0x31: {  	_ = 	snop  }
0x32: {  	[tilespmem:s26], [sflag:$0x1] =	stream.indirect.gather [hbm4b:s3+s7], $0x20, s25, s7, $0xb8;
	[tilespmem:$0xD680] =	vst v63  }
0x33: {  	_ = 	snop  }
0x34: {  	[tilespmem:s29], [sflag:$0x1] =	stream.indirect.gather [hbm4b:s3+s7], $0x20, s28, s7, $0xb8;
	[tilespmem:$0xD680] =	vst v63  }
0x35: {  	_ =	swait.ge [sflag:s30], $0x1000  }
0x36: {  	[sflag:s30] =	ssyncset.done $0x0  }
0x37: {  	[sflag:s30] =	ssyncadd.s32 $0xFFFFF000  }
0x38: {  	_ =	swait.ge [sflag:s30], $0x1000  }
0x39: {  	[sflag:s30] =	ssyncset.done $0x0  }
0x3a: {  	[sflag:s30] =	ssyncadd.s32 $0xFFFFF000  }
0x3b: {  	_ =	swait.ge [sflag:s30], $0x1000  }
0x3c: {  	[sflag:s30] =	ssyncset.done $0x0  }
0x3d: {  	[sflag:s30] =	ssyncadd.s32 $0xFFFFF000  }
0x3e: {  	_ =	swait.ge [sflag:s30], $0x1000  }
0x3f: {  	[sflag:s30] =	ssyncset.done $0x0  }
0x40: {  	[sflag:s30] =	ssyncadd.s32 $0xFFFFF000  }
0x41: {  	_ =	swait.ge [sflag:s30], $0x1000  }
0x42: {  	[sflag:s30] =	ssyncset.done $0x0  }
0x43: {  	[sflag:s30] =	ssyncadd.s32 $0xFFFFF000  }
0x44: {  	_ =	swait.ge [sflag:s30], $0x1000  }
0x45: {  	[sflag:s30] =	ssyncset.done $0x0  }
0x46: {  	[sflag:s30] =	ssyncadd.s32 $0xFFFFF000  }
0x47: {  	_ =	swait.ge [sflag:s30], $0x1000  }
0x48: {  	[sflag:s30] =	ssyncset.done $0x0  }
0x49: {  	[sflag:s30] =	ssyncadd.s32 $0xFFFFF000  }
0x4a: {  	_ =	swait.ge [sflag:s30], $0x1000  }
0x4b: {  	[sflag:s30] =	ssyncset.done $0x0  }
0x4c: {  	[sflag:s30] =	ssyncadd.s32 $0xFFFFF000  }
0x4d: {  	_ =	swait.ge [sflag:s30], $0x1000  }
0x4e: {  	[sflag:s30] =	ssyncset.done $0x0  }
0x4f: {  	[sflag:s30] =	ssyncadd.s32 $0xFFFFF000  }
0x50: {  	_ =	swait.ge [sflag:s30], $0x1000  }
0x51: {  	[sflag:s30] =	ssyncset.done $0x0  }
0x52: {  	[sflag:s30] =	ssyncadd.s32 $0xFFFFF000  }
0x53: {  	_ =	swait.ge [sflag:s30], $0x1000  }
0x54: {  	[sflag:s30] =	ssyncset.done $0x0  }
0x55: {  	[sflag:s30] =	ssyncadd.s32 $0xFFFFF000  }
0x56: {  	_ =	swait.ge [sflag:s30], $0x1000  }
0x57: {  	[sflag:s30] =	ssyncset.done $0x0  }
0x58: {  	[sflag:s30] =	ssyncadd.s32 $0xFFFFF000  }
0x59: {  	_ =	swait.ge [sflag:s30], $0x1000  }
0x5a: {  	[sflag:s30] =	ssyncset.done $0x0  }
0x5b: {  	s5 =	rddreg [dreg:$0x9];
	[sflag:s30] =	ssyncadd.s32 $0xFFFFF000  }
0x5c: {  	[hbm4b:s5+s2] =	stream.linear.scatter [tilespmem:s8], [sflag:$0x2], $0xD000, $0x38;
	[tilespmem:$0xD680] =	vst v63  }
0x5d: {  	s1 =	simm.s32 $0xD0;
	_ =	swait.ge [sflag:s6], $0xD000  }
0x5e: {  	s4 =	simm.s32 $0x1A0;
	s0 =	rddreg [dreg:$0x4];
	[sflag:s6] =	ssyncset.done $0x0  }
.LBB2_2:
0x5f: {  	[sflag:s6] =	ssyncadd.s32 $0xFFFF3000;
	s0 =	sadd.s32 s1, s0  }
0x60: {  	[tilespmem:s2], [sflag:$0x2] =	stream.linear.gather [hbm4b:s0+s2], $0x680, $0x38;
	[tilespmem:$0xD680] =	vst v63  }
0x61: {  	_ =	swait.ge [sflag:s6], $0x680  }
0x62: {  	[sflag:s6] =	ssyncset.done $0x0  }
0x63: {  	s31 =	smov.u32 s4;
	s0 =	rddreg [dreg:$0x7];
	[sflag:s6] =	ssyncadd.s32 $0xFFFFF980  }
0x64: {  	[tilespmem:s8], [sflag:$0x1] =	stream.indirect.gather [hbm4b:s3+s7], $0x20, s2, s7, $0xb8;
	[tilespmem:$0xD680] =	vst v63  }
0x65: {  	s1 =	smov.u32 s31;
	s31 =	rddreg [dreg:$0x5]  }
0x66: {  	[tilespmem:s31], [sflag:$0x1] =	stream.indirect.gather [hbm4b:s3+s7], $0x20, s7, s7, $0xb8;
	[tilespmem:$0xD680] =	vst v63  }
0x67: {  	s9 =	rddreg [dreg:$0x6]  }
0x68: {  	[tilespmem:s0], [sflag:$0x1] =	stream.indirect.gather [hbm4b:s3+s7], $0x20, s9, s7, $0xb8;
	[tilespmem:$0xD680] =	vst v63  }
0x69: {  	s31 =	simm.s32 $0x180  }
0x6a: {  	[tilespmem:s10], [sflag:$0x1] =	stream.indirect.gather [hbm4b:s3+s7], $0x20, s31, s7, $0xb8;
	[tilespmem:$0xD680] =	vst v63  }
0x6b: {  	_ = 	snop  }
0x6c: {  	[tilespmem:s12], [sflag:$0x1] =	stream.indirect.gather [hbm4b:s3+s7], $0x20, s11, s7, $0xb8;
	[tilespmem:$0xD680] =	vst v63  }
0x6d: {  	_ = 	snop  }
0x6e: {  	[tilespmem:s14], [sflag:$0x1] =	stream.indirect.gather [hbm4b:s3+s7], $0x20, s13, s7, $0xb8;
	[tilespmem:$0xD680] =	vst v63  }
0x6f: {  	_ = 	snop  }
0x70: {  	[tilespmem:s16], [sflag:$0x1] =	stream.indirect.gather [hbm4b:s3+s7], $0x20, s15, s7, $0xb8;
	[tilespmem:$0xD680] =	vst v63  }
0x71: {  	_ = 	snop  }
0x72: {  	[tilespmem:s18], [sflag:$0x1] =	stream.indirect.gather [hbm4b:s3+s7], $0x20, s17, s7, $0xb8;
	[tilespmem:$0xD680] =	vst v63  }
0x73: {  	_ = 	snop  }
0x74: {  	[tilespmem:s20], [sflag:$0x1] =	stream.indirect.gather [hbm4b:s3+s7], $0x20, s19, s7, $0xb8;
	[tilespmem:$0xD680] =	vst v63  }
0x75: {  	_ = 	snop  }
0x76: {  	[tilespmem:s22], [sflag:$0x1] =	stream.indirect.gather [hbm4b:s3+s7], $0x20, s21, s7, $0xb8;
	[tilespmem:$0xD680] =	vst v63  }
0x77: {  	_ = 	snop  }
0x78: {  	[tilespmem:s24], [sflag:$0x1] =	stream.indirect.gather [hbm4b:s3+s7], $0x20, s23, s7, $0xb8;
	[tilespmem:$0xD680] =	vst v63  }
0x79: {  	_ = 	snop  }
0x7a: {  	[tilespmem:s26], [sflag:$0x1] =	stream.indirect.gather [hbm4b:s3+s7], $0x20, s25, s7, $0xb8;
	[tilespmem:$0xD680] =	vst v63  }
0x7b: {  	_ = 	snop  }
0x7c: {  	[tilespmem:s29], [sflag:$0x1] =	stream.indirect.gather [hbm4b:s3+s7], $0x20, s28, s7, $0xb8;
	[tilespmem:$0xD680] =	vst v63  }
0x7d: {  	_ =	swait.ge [sflag:s30], $0x1000  }
0x7e: {  	[sflag:s30] =	ssyncset.done $0x0  }
0x7f: {  	[sflag:s30] =	ssyncadd.s32 $0xFFFFF000  }
0x80: {  	_ =	swait.ge [sflag:s30], $0x1000  }
0x81: {  	[sflag:s30] =	ssyncset.done $0x0  }
0x82: {  	[sflag:s30] =	ssyncadd.s32 $0xFFFFF000  }
0x83: {  	_ =	swait.ge [sflag:s30], $0x1000  }
0x84: {  	[sflag:s30] =	ssyncset.done $0x0  }
0x85: {  	[sflag:s30] =	ssyncadd.s32 $0xFFFFF000  }
0x86: {  	_ =	swait.ge [sflag:s30], $0x1000  }
0x87: {  	[sflag:s30] =	ssyncset.done $0x0  }
0x88: {  	[sflag:s30] =	ssyncadd.s32 $0xFFFFF000  }
0x89: {  	_ =	swait.ge [sflag:s30], $0x1000  }
0x8a: {  	[sflag:s30] =	ssyncset.done $0x0  }
0x8b: {  	[sflag:s30] =	ssyncadd.s32 $0xFFFFF000  }
0x8c: {  	_ =	swait.ge [sflag:s30], $0x1000  }
0x8d: {  	[sflag:s30] =	ssyncset.done $0x0  }
0x8e: {  	[sflag:s30] =	ssyncadd.s32 $0xFFFFF000  }
0x8f: {  	_ =	swait.ge [sflag:s30], $0x1000  }
0x90: {  	[sflag:s30] =	ssyncset.done $0x0  }
0x91: {  	[sflag:s30] =	ssyncadd.s32 $0xFFFFF000  }
0x92: {  	_ =	swait.ge [sflag:s30], $0x1000  }
0x93: {  	[sflag:s30] =	ssyncset.done $0x0  }
0x94: {  	[sflag:s30] =	ssyncadd.s32 $0xFFFFF000  }
0x95: {  	_ =	swait.ge [sflag:s30], $0x1000  }
0x96: {  	[sflag:s30] =	ssyncset.done $0x0  }
0x97: {  	[sflag:s30] =	ssyncadd.s32 $0xFFFFF000  }
0x98: {  	_ =	swait.ge [sflag:s30], $0x1000  }
0x99: {  	[sflag:s30] =	ssyncset.done $0x0  }
0x9a: {  	[sflag:s30] =	ssyncadd.s32 $0xFFFFF000  }
0x9b: {  	_ =	swait.ge [sflag:s30], $0x1000  }
0x9c: {  	[sflag:s30] =	ssyncset.done $0x0  }
0x9d: {  	[sflag:s30] =	ssyncadd.s32 $0xFFFFF000  }
0x9e: {  	_ =	swait.ge [sflag:s30], $0x1000  }
0x9f: {  	[sflag:s30] =	ssyncset.done $0x0  }
0xa0: {  	[sflag:s30] =	ssyncadd.s32 $0xFFFFF000  }
0xa1: {  	p0 =	sne.s32 s4, $0x5B0;
	_ =	swait.ge [sflag:s30], $0x1000  }
.Ltmp0:
0xa2: {  	[sflag:s30] =	ssyncset.done $0x0;
	(pc) =	sbr.rel @p0 .LBB2_2-.Ltmp0, $4  }
0xa3: {  	s5 =	sadd.s32 $0x1A00, s5;
	[sflag:s30] =	ssyncadd.s32 $0xFFFFF000  }
0xa4: {  	[hbm4b:s5+s2] =	stream.linear.scatter [tilespmem:s8], [sflag:$0x2], $0xD000, $0x38;
	[tilespmem:$0xD680] =	vst v63  }
0xa5: {  	_ =	swait.ge [sflag:s6], $0xD000  }
0xa6: {  	s4 =	sadd.s32 $0xD0, s4;
	s0 =	rddreg [dreg:$0x4];
	[sflag:s6] =	ssyncset.done $0x0  }
0xa7: {  	[sflag:s6] =	ssyncadd.s32 $0xFFFF3000;
	s0 =	sadd.s32 s1, s0  }
0xa8: {  	[tilespmem:s2], [sflag:$0x2] =	stream.linear.gather [hbm4b:s0+s2], $0x680, $0x38;
	[tilespmem:$0xD680] =	vst v63  }
0xa9: {  	_ =	swait.ge [sflag:s6], $0x680  }
0xaa: {  	[sflag:s6] =	ssyncset.done $0x0  }
0xab: {  	s9 =	rddreg [dreg:$0x7];
	[sflag:s6] =	ssyncadd.s32 $0xFFFFF980  }
0xac: {  	[tilespmem:s8], [sflag:$0x1] =	stream.indirect.gather [hbm4b:s3+s7], $0x20, s2, s7, $0xb8;
	[tilespmem:$0xD680] =	vst v63  }
0xad: {  	s31 =	rddreg [dreg:$0x5]  }
0xae: {  	[tilespmem:s31], [sflag:$0x1] =	stream.indirect.gather [hbm4b:s3+s7], $0x20, s7, s7, $0xb8;
	[tilespmem:$0xD680] =	vst v63  }
0xaf: {  	s4 =	rddreg [dreg:$0x6]  }
0xb0: {  	[tilespmem:s9], [sflag:$0x1] =	stream.indirect.gather [hbm4b:s3+s7], $0x20, s4, s7, $0xb8;
	[tilespmem:$0xD680] =	vst v63  }
0xb1: {  	s4 =	simm.s32 $0x180  }
0xb2: {  	[tilespmem:s10], [sflag:$0x1] =	stream.indirect.gather [hbm4b:s3+s7], $0x20, s4, s7, $0xb8;
	[tilespmem:$0xD680] =	vst v63  }
0xb3: {  	_ = 	snop  }
0xb4: {  	[tilespmem:s12], [sflag:$0x1] =	stream.indirect.gather [hbm4b:s3+s7], $0x20, s11, s7, $0xb8;
	[tilespmem:$0xD680] =	vst v63  }
0xb5: {  	_ = 	snop  }
0xb6: {  	[tilespmem:s14], [sflag:$0x1] =	stream.indirect.gather [hbm4b:s3+s7], $0x20, s13, s7, $0xb8;
	[tilespmem:$0xD680] =	vst v63  }
0xb7: {  	_ = 	snop  }
0xb8: {  	[tilespmem:s16], [sflag:$0x1] =	stream.indirect.gather [hbm4b:s3+s7], $0x20, s15, s7, $0xb8;
	[tilespmem:$0xD680] =	vst v63  }
0xb9: {  	_ = 	snop  }
0xba: {  	[tilespmem:s18], [sflag:$0x1] =	stream.indirect.gather [hbm4b:s3+s7], $0x20, s17, s7, $0xb8;
	[tilespmem:$0xD680] =	vst v63  }
0xbb: {  	_ = 	snop  }
0xbc: {  	[tilespmem:s20], [sflag:$0x1] =	stream.indirect.gather [hbm4b:s3+s7], $0x20, s19, s7, $0xb8;
	[tilespmem:$0xD680] =	vst v63  }
0xbd: {  	_ = 	snop  }
0xbe: {  	[tilespmem:s22], [sflag:$0x1] =	stream.indirect.gather [hbm4b:s3+s7], $0x20, s21, s7, $0xb8;
	[tilespmem:$0xD680] =	vst v63  }
0xbf: {  	_ = 	snop  }
0xc0: {  	[tilespmem:s24], [sflag:$0x1] =	stream.indirect.gather [hbm4b:s3+s7], $0x20, s23, s7, $0xb8;
	[tilespmem:$0xD680] =	vst v63  }
0xc1: {  	_ = 	snop  }
0xc2: {  	[tilespmem:s26], [sflag:$0x1] =	stream.indirect.gather [hbm4b:s3+s7], $0x20, s25, s7, $0xb8;
	[tilespmem:$0xD680] =	vst v63  }
0xc3: {  	_ = 	snop  }
0xc4: {  	[tilespmem:s29], [sflag:$0x1] =	stream.indirect.gather [hbm4b:s3+s7], $0x20, s28, s7, $0xb8;
	[tilespmem:$0xD680] =	vst v63  }
0xc5: {  	_ =	swait.ge [sflag:s30], $0x1000  }
0xc6: {  	[sflag:s30] =	ssyncset.done $0x0  }
0xc7: {  	[sflag:s30] =	ssyncadd.s32 $0xFFFFF000  }
0xc8: {  	_ =	swait.ge [sflag:s30], $0x1000  }
0xc9: {  	[sflag:s30] =	ssyncset.done $0x0  }
0xca: {  	[sflag:s30] =	ssyncadd.s32 $0xFFFFF000  }
0xcb: {  	_ =	swait.ge [sflag:s30], $0x1000  }
0xcc: {  	[sflag:s30] =	ssyncset.done $0x0  }
0xcd: {  	[sflag:s30] =	ssyncadd.s32 $0xFFFFF000  }
0xce: {  	_ =	swait.ge [sflag:s30], $0x1000  }
0xcf: {  	[sflag:s30] =	ssyncset.done $0x0  }
0xd0: {  	[sflag:s30] =	ssyncadd.s32 $0xFFFFF000  }
0xd1: {  	_ =	swait.ge [sflag:s30], $0x1000  }
0xd2: {  	[sflag:s30] =	ssyncset.done $0x0  }
0xd3: {  	[sflag:s30] =	ssyncadd.s32 $0xFFFFF000  }
0xd4: {  	_ =	swait.ge [sflag:s30], $0x1000  }
0xd5: {  	[sflag:s30] =	ssyncset.done $0x0  }
0xd6: {  	[sflag:s30] =	ssyncadd.s32 $0xFFFFF000  }
0xd7: {  	_ =	swait.ge [sflag:s30], $0x1000  }
0xd8: {  	[sflag:s30] =	ssyncset.done $0x0  }
0xd9: {  	[sflag:s30] =	ssyncadd.s32 $0xFFFFF000  }
0xda: {  	_ =	swait.ge [sflag:s30], $0x1000  }
0xdb: {  	[sflag:s30] =	ssyncset.done $0x0  }
0xdc: {  	[sflag:s30] =	ssyncadd.s32 $0xFFFFF000  }
0xdd: {  	_ =	swait.ge [sflag:s30], $0x1000  }
0xde: {  	[sflag:s30] =	ssyncset.done $0x0  }
0xdf: {  	[sflag:s30] =	ssyncadd.s32 $0xFFFFF000  }
0xe0: {  	_ =	swait.ge [sflag:s30], $0x1000  }
0xe1: {  	[sflag:s30] =	ssyncset.done $0x0  }
0xe2: {  	[sflag:s30] =	ssyncadd.s32 $0xFFFFF000  }
0xe3: {  	_ =	swait.ge [sflag:s30], $0x1000  }
0xe4: {  	[sflag:s30] =	ssyncset.done $0x0  }
0xe5: {  	[sflag:s30] =	ssyncadd.s32 $0xFFFFF000  }
0xe6: {  	_ =	swait.ge [sflag:s30], $0x1000  }
0xe7: {  	[sflag:s30] =	ssyncset.done $0x0  }
0xe8: {  	[sflag:s30] =	ssyncadd.s32 $0xFFFFF000  }
0xe9: {  	_ =	swait.ge [sflag:s30], $0x1000  }
0xea: {  	[sflag:s30] =	ssyncset.done $0x0  }
0xeb: {  	s5 =	sadd.s32 $0x1A00, s5;
	[sflag:s30] =	ssyncadd.s32 $0xFFFFF000  }
0xec: {  	[hbm4b:s5+s2] =	stream.linear.scatter [tilespmem:s8], [sflag:$0x2], $0xD000, $0x38;
	[tilespmem:$0xD680] =	vst v63  }
0xed: {  	_ =	swait.ge [sflag:s6], $0xD000  }
0xee: {  	s9 =	rddreg [dreg:$0xa]  }
0xef: {  	s31 =	rddreg [dreg:$0x8];
	s1 =	sadd.s32 $0x1, s9  }
0xf0: {  	p0 =	sne.s32 s1, s31  }
.Ltmp1:
0xf1: {  	_ = 	snop;
	(pc) =	sbr.rel @p0 .LBB2_1-.Ltmp1, $3  }
0xf2: {  	_ =	sdelay $0x1  }
0xf3: {  	[sflag:s6] =	ssyncset.done $0x0  }
0xf4: {  	[sflag:s6] =	ssyncadd.s32 $0xFFFF3000  }
0xf5: {  	_ =	sfence.sel $0x180000  }
0xf6: {  	[bflag:$0x0] =	sbarrier.arrive $0xFFFF  }
0xf7: {  	_ =	strace $0x90000047  }
0xf8: {  	s0 =	stileid.u32;
	[bflag:$0x2] =	sbarrier.arrive $0xFFFF  }
0xf9: {  	p0 =	sne.s32 s0, $0x0;
	s0 =	rddreg [dreg:$0x3]  }
0xfa: {  	s0 =	sadd.s32 @!p0 $0x100000, s0  }
0xfb: {  	[sflag:s0] =	ssyncadd.tile.s32 @!p0 $0x1;
	_ =	shalt  }
.Lfunc_end2:
_tile_overlayer_lowered:
.L_overlay_start_2:
0xfc: {  	(tag) =	ssettag $0x2  }
0xfd: {  	s0 =	rddreg [dreg:$0x0];
	s2 =	stileid.u32  }
0xfe: {  	s1 =	rddreg [dreg:$0x1];
	p0 =	sne.s32 s2, $0x0  }
0xff: {  	s3 =	rddreg [dreg:$0x2];
	[bflag:$0x3] =	sbarrier.arrive $0xFFFF;
	s2 =	simm.s32 @!p0 $0x1C02  }
0x100: {  	[timem:s3], [sflag:s2] =	dma.local @!p0 [hbm:s0], s1  }
0x101: {  	s0 =	simm.s32 @!p0 $0x2  }
0x102: {  	_ =	swait.ge @!p0 [sflag:s0], s1  }
0x103: {  	s1 =	ssub.s32 @!p0 $0x0, s1;
	[sflag:s0] =	ssyncset.done @!p0 $0x0  }
0x104: {  	[sflag:s0] =	ssyncadd.s32 @!p0 s1  }
0x105: {  	[bflag:$0x3] =	sbarrier.arrive $0xFFFF  }
0x106: {  	_ =	shalt  }

</sc_bundles>
